<compile_context>
chip_gen: v7x
topology: tpu7x:2x2x1
jax: 0.10.2.dev20260603
libtpu: 0.0.44.dev20260713+nightly
codegen_flags: <defaults>
</compile_context>

<pallas_src>
import functools

import jax
import jax.numpy as jnp
from jax import lax
from jax.experimental import pallas as pl
from jax.experimental.pallas import tpu as pltpu
from jax.experimental.pallas import tpu_sc as plsc

_LANES = 16
_NTILES = 32
_BLOCK = 128


@functools.lru_cache(maxsize=None)
def _make_kernels(n_rows: int, n_cols: int):
    per_tile = n_rows // _NTILES
    t_chunks = per_tile // _LANES

    mesh = plsc.VectorSubcoreMesh(core_axis_name="c", subcore_axis_name="s")
    params = pltpu.CompilerParams(needs_layout_passes=False)

    @functools.partial(
        pl.kernel,
        mesh=mesh,
        compiler_params=params,
        out_type=jax.ShapeDtypeStruct((n_rows,), jnp.float32),
        scratch_types=[
            pltpu.VMEM((per_tile,), jnp.int32),
            pltpu.VMEM((per_tile * 8, _BLOCK), jnp.float32),
            pltpu.VMEM((per_tile,), jnp.float32),
            pltpu.VMEM((per_tile,), jnp.float32),
            pltpu.SemaphoreType.DMA,
        ],
    )
    def _gather(prob_hbm, tgt_hbm, rew_hbm, out_hbm,
                tgt_v, val_v, rew_v, acc_v, sem):
        wid = lax.axis_index("s") * 2 + lax.axis_index("c")
        base = wid * per_tile
        pltpu.sync_copy(tgt_hbm.at[pl.ds(base, per_tile)], tgt_v)
        pltpu.sync_copy(rew_hbm.at[pl.ds(base, per_tile)], rew_v)
        iot = lax.broadcasted_iota(jnp.int32, (_LANES,), 0)
        for k in range(t_chunks):
            winv = tgt_v[pl.ds(k * _LANES, _LANES)] & -_BLOCK

            def _fire(j, _):
                row = k * _LANES + j
                c0 = pl.multiple_of(
                    jnp.sum(jnp.where(iot == j, winv, 0)), _BLOCK)
                r0 = base + pl.multiple_of((row >> 3) << 3, 8)
                pltpu.async_copy(
                    prob_hbm.at[pl.ds(r0, 8), pl.ds(c0, _BLOCK)],
                    val_v.at[pl.ds(pl.multiple_of(row * 8, 8), 8)], sem)
                return _

            lax.fori_loop(0, _LANES, _fire, 0)

        def _drain(j, _):
            pltpu.make_async_copy(
                prob_hbm.at[pl.ds(0, 8), pl.ds(0, _BLOCK)],
                val_v.at[pl.ds(0, 8)], sem).wait()
            return _

        lax.fori_loop(0, per_tile, _drain, 0)
        for k in range(t_chunks):
            lanes = tgt_v[pl.ds(k * _LANES, _LANES)] & (_BLOCK - 1)
            rowsel = (k * _LANES + iot) * 8 + (iot & 7)
            picked = plsc.load_gather(val_v, [rowsel, lanes])
            acc_v[pl.ds(k * _LANES, _LANES)] = (
                picked * rew_v[pl.ds(k * _LANES, _LANES)])
        pltpu.sync_copy(acc_v, out_hbm.at[pl.ds(base, per_tile)])

    def _reduce_body(prod_ref, out_ref):
        out_ref[0, 0] = -jnp.sum(prod_ref[...])

    _reduce = pl.pallas_call(
        _reduce_body,
        out_shape=jax.ShapeDtypeStruct((1, 1), jnp.float32),
        out_specs=pl.BlockSpec(memory_space=pltpu.SMEM),
    )

    return _gather, _reduce


def kernel(prob, target, reward):
    n_rows = prob.shape[0] * prob.shape[1]
    n_cols = prob.shape[2]
    prob2 = prob.reshape(n_rows, n_cols)
    tgt = target.astype(jnp.int32)
    rew = reward.astype(jnp.float32)
    gather, reduce = _make_kernels(n_rows, n_cols)
    prod = gather(prob2, tgt, rew)
    out = reduce(prod)
    return out[0, 0]

# --- scband reference (transcript-rebuilt; emitter-appended) ---
"""Pipeline reference for scband-ganloss-52639119179941 (READ-ONLY COPY).

The authoritative reference and input builder live on the scoring server;
editing this copy changes nothing except your own understanding.
"""

import jax, jax.numpy as jnp
import numpy as np


def setup_inputs(seed: int = 0) -> dict:
    key = jax.random.key(seed)
    k1, k2, k3 = jax.random.split(key, 3)
    B, S, C = 16, 32, 100000
    N = B * S
    prob = jax.random.normal(k1, (B, S, C), dtype=jnp.float32)
    target = jax.random.randint(k2, (N,), 0, C, dtype=jnp.int64)
    reward = jax.random.uniform(k3, (N,), dtype=jnp.float32)
    return {"prob": prob, "target": target, "reward": reward}


def reference(prob, target, reward):
    # prob: (B, S, C) -> view as (N, C), matching prob.view(-1, prob.size(2))
    p = prob.reshape(-1, prob.shape[2])
    # one_hot scatter + masked_select is equivalent to gathering p[i, target[i]]
    picked = jnp.take_along_axis(p, target[:, None], axis=1)[:, 0]
    loss = -jnp.sum(picked * reward)
    return loss

if __name__ == "__main__":
    import jax
    _d = setup_inputs()
    print(jax.jit(kernel)(*tuple(_d.values())))

</pallas_src>

<mosaic_0001>
#map = affine_map<(d0, d1) -> (0, 0)>
#map1 = affine_map<(d0, d1) -> (0)>
module attributes {stable_mosaic.version = 14 : i64} {
  func.func @_gather(%arg0: i32, %arg1: i32, %arg2: memref<512x100000xf32, #tpu.memory_space<hbm>>, %arg3: memref<512xi32, #tpu.memory_space<hbm>>, %arg4: memref<512xf32, #tpu.memory_space<hbm>>, %arg5: memref<512xf32, #tpu.memory_space<hbm>>, %arg6: memref<16xi32, #tpu.memory_space<vmem>>, %arg7: memref<128x128xf32, #tpu.memory_space<vmem>>, %arg8: memref<16xf32, #tpu.memory_space<vmem>>, %arg9: memref<16xf32, #tpu.memory_space<vmem>>, %arg10: memref<!tpu.dma_semaphore, #tpu.memory_space<semaphore_mem>>) attributes {dimension_semantics = [#tpu.dimension_semantics<core_parallel>, #tpu.dimension_semantics<subcore_parallel>], iteration_bounds = array<i64: 2, 16>, scalar_prefetch = 0 : i64, scratch_operands = 5 : i64, tpu.core_type = #tpu.core_type<sc_vector_subcore>, window_params = [{transform_indices = #map}, {transform_indices = #map1}, {transform_indices = #map1}, {transform_indices = #map1}]} {
    %mul3A = arith.constant 2 : i32
    %mul3A_0 = arith.muli %arg1, %mul3A : i32
    %add3A = arith.addi %mul3A_0, %arg0 : i32
    %mul3A_1 = arith.constant 16 : i32
    %mul3A_2 = arith.muli %add3A, %mul3A_1 : i32
    "tpu.region"() ({
      %run_scoped3A = tpu.sem_alloc : memref<!tpu.dma_semaphore, #tpu.memory_space<semaphore_mem>>
      %dma_start3A = tpu.memref_slice %arg3[%mul3A_2] : memref<512xi32, #tpu.memory_space<hbm>> -> memref<16xi32, #tpu.memory_space<hbm>>
      %dma_start3A_36 = tpu.memref_slice %arg3[%mul3A_2] : memref<512xi32, #tpu.memory_space<hbm>> -> memref<16xi32, #tpu.memory_space<hbm>>
      tpu.enqueue_dma source(%dma_start3A_36 : memref<16xi32, #tpu.memory_space<hbm>>) target(%arg6 : memref<16xi32, #tpu.memory_space<vmem>>) target_semaphore(%run_scoped3A : memref<!tpu.dma_semaphore, #tpu.memory_space<semaphore_mem>>)
      %dma_wait3A = tpu.memref_slice %arg3[%mul3A_2] : memref<512xi32, #tpu.memory_space<hbm>> -> memref<16xi32, #tpu.memory_space<hbm>>
      %dma_wait3A_37 = tpu.memref_slice %arg3[%mul3A_2] : memref<512xi32, #tpu.memory_space<hbm>> -> memref<16xi32, #tpu.memory_space<hbm>>
      tpu.wait_dma2 semaphore(%run_scoped3A : memref<!tpu.dma_semaphore, #tpu.memory_space<semaphore_mem>>) src(%dma_wait3A_37 : memref<16xi32, #tpu.memory_space<hbm>>) dst(%arg6 : memref<16xi32, #tpu.memory_space<vmem>>)
      tpu.yield
    }) : () -> ()
    "tpu.region"() ({
      %run_scoped3A = tpu.sem_alloc : memref<!tpu.dma_semaphore, #tpu.memory_space<semaphore_mem>>
      %dma_start3A = tpu.memref_slice %arg4[%mul3A_2] : memref<512xf32, #tpu.memory_space<hbm>> -> memref<16xf32, #tpu.memory_space<hbm>>
      %dma_start3A_36 = tpu.memref_slice %arg4[%mul3A_2] : memref<512xf32, #tpu.memory_space<hbm>> -> memref<16xf32, #tpu.memory_space<hbm>>
      tpu.enqueue_dma source(%dma_start3A_36 : memref<16xf32, #tpu.memory_space<hbm>>) target(%arg8 : memref<16xf32, #tpu.memory_space<vmem>>) target_semaphore(%run_scoped3A : memref<!tpu.dma_semaphore, #tpu.memory_space<semaphore_mem>>)
      %dma_wait3A = tpu.memref_slice %arg4[%mul3A_2] : memref<512xf32, #tpu.memory_space<hbm>> -> memref<16xf32, #tpu.memory_space<hbm>>
      %dma_wait3A_37 = tpu.memref_slice %arg4[%mul3A_2] : memref<512xf32, #tpu.memory_space<hbm>> -> memref<16xf32, #tpu.memory_space<hbm>>
      tpu.wait_dma2 semaphore(%run_scoped3A : memref<!tpu.dma_semaphore, #tpu.memory_space<semaphore_mem>>) src(%dma_wait3A_37 : memref<16xf32, #tpu.memory_space<hbm>>) dst(%arg8 : memref<16xf32, #tpu.memory_space<vmem>>)
      tpu.yield
    }) : () -> ()
    %iota3A = tpu.iota {dimensions = array<i32: 0>} : vector<16xi32>
    %get3A = arith.constant 0 : index
    %get3A_3 = tpu.vector_load %arg6[%get3A] {strides = array<i32>} : memref<16xi32, #tpu.memory_space<vmem>>, vector<16xi32>,
    %and3A = arith.constant -128 : i32
    %and3A_4 = vector.broadcast %and3A : i32 to vector<16xi32>
    %and3A_5 = arith.andi %get3A_3, %and3A_4 : vector<16xi32>
    %scan3A = arith.constant 0 : i32
    %scan3A_6 = arith.constant 0 : i32
    %scan3A_7 = arith.constant 16 : i32
    %scan3A_8 = arith.addi %scan3A_6, %scan3A_7 : i32
    %scan3A_9 = arith.constant 1 : i32
    scf.for %scan3A_36 = %scan3A_6 to %scan3A_8 step %scan3A_9  : i32 {
      %add3A_37 = arith.constant 0 : i32
      %add3A_38 = arith.addi %add3A_37, %scan3A_36 : i32
      %eq3A = vector.broadcast %scan3A_36 : i32 to vector<16xi32>
      %eq3A_39 = arith.cmpi eq, %iota3A, %eq3A : vector<16xi32>
      %jit3A = arith.constant 0 : i32
      %broadcast_in_dim3A = vector.broadcast %jit3A : i32 to vector<16xi32>
      %select_n3A = arith.select %eq3A_39, %and3A_5, %broadcast_in_dim3A : vector<16xi1>, vector<16xi32>
      %reduce_sum3A = arith.constant true
      %reduce_sum3A_40 = vector.broadcast %reduce_sum3A : i1 to vector<16xi1>
      %reduce_sum3A_41 = tpu.scan <sum>, %select_n3A masked %reduce_sum3A_40 : vector<16xi32>, vector<16xi1> -> vector<16xi32>
      %reduce_sum3A_42 = vector.extract %reduce_sum3A_41[15] : i32 from vector<16xi32>
      %multiple_of3A = tpu.assume_multiple %reduce_sum3A_42, 128 : i32
      %shift_right_arithmetic3A = arith.constant 3 : i32
      %shift_right_arithmetic3A_43 = arith.shrsi %add3A_38, %shift_right_arithmetic3A : i32
      %shift_left3A = arith.constant 3 : i32
      %shift_left3A_44 = arith.shli %shift_right_arithmetic3A_43, %shift_left3A : i32
      %multiple_of3A_45 = tpu.assume_multiple %shift_left3A_44, 8 : i32
      %add3A_46 = arith.addi %mul3A_2, %multiple_of3A_45 : i32
      %mul3A_47 = arith.constant 8 : i32
      %mul3A_48 = arith.muli %add3A_38, %mul3A_47 : i32
      %multiple_of3A_49 = tpu.assume_multiple %mul3A_48, 8 : i32
      %dma_start3A = arith.constant 0 : i32
      %dma_start3A_50 = tpu.memref_slice %arg7[%multiple_of3A_49, %dma_start3A] : memref<128x128xf32, #tpu.memory_space<vmem>> -> memref<8x128xf32, #tpu.memory_space<vmem>>
      %dma_start3A_51 = tpu.memref_slice %arg2[%add3A_46, %multiple_of3A] : memref<512x100000xf32, #tpu.memory_space<hbm>> -> memref<8x128xf32, #tpu.memory_space<hbm>>
      %dma_start3A_52 = arith.constant 0 : i32
      %dma_start3A_53 = tpu.memref_slice %arg7[%multiple_of3A_49, %dma_start3A_52] : memref<128x128xf32, #tpu.memory_space<vmem>> -> memref<8x128xf32, #tpu.memory_space<vmem>>
      %dma_start3A_54 = tpu.memref_slice %arg2[%add3A_46, %multiple_of3A] : memref<512x100000xf32, #tpu.memory_space<hbm>> -> memref<8x128xf32, #tpu.memory_space<hbm>>
      tpu.enqueue_dma source(%dma_start3A_54 : memref<8x128xf32, #tpu.memory_space<hbm>>) target(%dma_start3A_53 : memref<8x128xf32, #tpu.memory_space<vmem>>) target_semaphore(%arg10 : memref<!tpu.dma_semaphore, #tpu.memory_space<semaphore_mem>>)
    }
    %scan3A_10 = arith.constant 16 : i32
    %scan3A_11 = arith.constant 0 : i32
    %scan3A_12 = arith.constant 0 : i32
    %scan3A_13 = arith.constant 16 : i32
    %scan3A_14 = arith.addi %scan3A_12, %scan3A_13 : i32
    %scan3A_15 = arith.constant 1 : i32
    scf.for %scan3A_36 = %scan3A_12 to %scan3A_14 step %scan3A_15  : i32 {
      %dma_wait3A = arith.constant 0 : i32
      %dma_wait3A_37 = arith.constant 0 : i32
      %dma_wait3A_38 = tpu.memref_slice %arg7[%dma_wait3A, %dma_wait3A_37] : memref<128x128xf32, #tpu.memory_space<vmem>> -> memref<8x128xf32, #tpu.memory_space<vmem>>
      %dma_wait3A_39 = arith.constant 0 : i32
      %dma_wait3A_40 = arith.constant 0 : i32
      %dma_wait3A_41 = tpu.memref_slice %arg2[%dma_wait3A_39, %dma_wait3A_40] : memref<512x100000xf32, #tpu.memory_space<hbm>> -> memref<8x128xf32, #tpu.memory_space<hbm>>
      %dma_wait3A_42 = arith.constant 0 : i32
      %dma_wait3A_43 = arith.constant 0 : i32
      %dma_wait3A_44 = tpu.memref_slice %arg7[%dma_wait3A_42, %dma_wait3A_43] : memref<128x128xf32, #tpu.memory_space<vmem>> -> memref<8x128xf32, #tpu.memory_space<vmem>>
      %dma_wait3A_45 = arith.constant 0 : i32
      %dma_wait3A_46 = arith.constant 0 : i32
      %dma_wait3A_47 = tpu.memref_slice %arg2[%dma_wait3A_45, %dma_wait3A_46] : memref<512x100000xf32, #tpu.memory_space<hbm>> -> memref<8x128xf32, #tpu.memory_space<hbm>>
      tpu.wait_dma2 semaphore(%arg10 : memref<!tpu.dma_semaphore, #tpu.memory_space<semaphore_mem>>) src(%dma_wait3A_47 : memref<8x128xf32, #tpu.memory_space<hbm>>) dst(%dma_wait3A_44 : memref<8x128xf32, #tpu.memory_space<vmem>>)
    }
    %scan3A_16 = arith.constant 16 : i32
    %get3A_17 = arith.constant 0 : index
    %get3A_18 = tpu.vector_load %arg6[%get3A_17] {strides = array<i32>} : memref<16xi32, #tpu.memory_space<vmem>>, vector<16xi32>,
    %and3A_19 = arith.constant 127 : i32
    %and3A_20 = vector.broadcast %and3A_19 : i32 to vector<16xi32>
    %and3A_21 = arith.andi %get3A_18, %and3A_20 : vector<16xi32>
    %add3A_22 = arith.constant 0 : i32
    %add3A_23 = vector.broadcast %add3A_22 : i32 to vector<16xi32>
    %add3A_24 = arith.addi %add3A_23, %iota3A : vector<16xi32>
    %mul3A_25 = arith.constant 8 : i32
    %mul3A_26 = vector.broadcast %mul3A_25 : i32 to vector<16xi32>
    %mul3A_27 = arith.muli %add3A_24, %mul3A_26 : vector<16xi32>
    %and3A_28 = arith.constant 7 : i32
    %and3A_29 = vector.broadcast %and3A_28 : i32 to vector<16xi32>
    %and3A_30 = arith.andi %iota3A, %and3A_29 : vector<16xi32>
    %add3A_31 = arith.addi %mul3A_27, %and3A_30 : vector<16xi32>
    %gather3A = tpu.vector_load_idx %arg7[%add3A_31, %and3A_21] : memref<128x128xf32, #tpu.memory_space<vmem>>[vector<16xi32>, vector<16xi32>], vector<16xf32>,
    %get3A_32 = arith.constant 0 : index
    %get3A_33 = tpu.vector_load %arg8[%get3A_32] {strides = array<i32>} : memref<16xf32, #tpu.memory_space<vmem>>, vector<16xf32>,
    %mul3A_34 = arith.mulf %gather3A, %get3A_33 : vector<16xf32>
    %swap3A = arith.constant 0 : index
    %swap3A_35 = tpu.vector_load %arg9[%swap3A] {strides = array<i32>} : memref<16xf32, #tpu.memory_space<vmem>>, vector<16xf32>,
    tpu.vector_store %arg9[%swap3A], %mul3A_34 {strides = array<i32>} : memref<16xf32, #tpu.memory_space<vmem>>, vector<16xf32>,
    "tpu.region"() ({
      %run_scoped3A = tpu.sem_alloc : memref<!tpu.dma_semaphore, #tpu.memory_space<semaphore_mem>>
      %dma_start3A = tpu.memref_slice %arg5[%mul3A_2] : memref<512xf32, #tpu.memory_space<hbm>> -> memref<16xf32, #tpu.memory_space<hbm>>
      %dma_start3A_36 = tpu.memref_slice %arg5[%mul3A_2] : memref<512xf32, #tpu.memory_space<hbm>> -> memref<16xf32, #tpu.memory_space<hbm>>
      tpu.enqueue_dma source(%arg9 : memref<16xf32, #tpu.memory_space<vmem>>) target(%dma_start3A_36 : memref<16xf32, #tpu.memory_space<hbm>>) target_semaphore(%run_scoped3A : memref<!tpu.dma_semaphore, #tpu.memory_space<semaphore_mem>>)
      %dma_wait3A = tpu.memref_slice %arg5[%mul3A_2] : memref<512xf32, #tpu.memory_space<hbm>> -> memref<16xf32, #tpu.memory_space<hbm>>
      %dma_wait3A_37 = tpu.memref_slice %arg5[%mul3A_2] : memref<512xf32, #tpu.memory_space<hbm>> -> memref<16xf32, #tpu.memory_space<hbm>>
      tpu.wait_dma2 semaphore(%run_scoped3A : memref<!tpu.dma_semaphore, #tpu.memory_space<semaphore_mem>>) src(%arg9 : memref<16xf32, #tpu.memory_space<vmem>>) dst(%dma_wait3A_37 : memref<16xf32, #tpu.memory_space<hbm>>)
      tpu.yield
    }) : () -> ()
    return
  }
}

module attributes {stable_mosaic.version = 14 : i64} {
  func.func @_reduce_body(%arg0: memref<512xf32, #tpu.memory_space<vmem>>, %arg1: memref<1x1xf32, #tpu.memory_space<smem>>) attributes {dimension_semantics = [], scalar_prefetch = 0 : i64, scratch_operands = 0 : i64, tpu.core_type = #tpu.core_type<tc>} {
    %get3A = arith.constant 0 : index
    %get3A_0 = vector.load %arg0[%get3A] : memref<512xf32, #tpu.memory_space<vmem>>, vector<512xf32>
    %reduce_sum3A = vector.shape_cast %get3A_0 : vector<512xf32> to vector<1x512xf32>
    %reduce_sum3A_1 = arith.constant dense<0.000000e+00> : vector<1xf32>
    %reduce_sum3A_2 = vector.multi_reduction <add>, %reduce_sum3A, %reduce_sum3A_1 [1] : vector<1x512xf32> to vector<1xf32>
    %reduce_sum3A_3 = vector.shape_cast %reduce_sum3A_2 : vector<1xf32> to vector<1x1xf32>
    %reduce_sum3A_4 = vector.extract %reduce_sum3A_3[0, 0] : f32 from vector<1x1xf32>
    %neg3A = arith.constant 0.000000e+00 : f32
    %neg3A_5 = arith.subf %neg3A, %reduce_sum3A_4 : f32
    %swap3A = arith.constant 0 : index
    %swap3A_6 = arith.constant 0 : index
    %swap3A_7 = memref.load %arg1[%swap3A, %swap3A_6] : memref<1x1xf32, #tpu.memory_space<smem>>
    memref.store %neg3A_5, %arg1[%swap3A, %swap3A_6] : memref<1x1xf32, #tpu.memory_space<smem>>
    return
  }
}

</mosaic_0001>

<sc_bundles>
// kernel: kernel.4.cloned.1.call-start
scs
__scs_entry_jumppad:
0x0: {  	(pc) =	sbr.rel $0x88, $3  }
0x1: {  	(tag) =	ssettag $0x0;
	lr =	simm.s32 $0x1  }
0x2: {  	[smem:$0x3F9E] =	sst lr;
	_ =	strace $0xD0000000  }
0x3: {  	_ = 	snop  }
0x4: {  	_ = 	snop  }
0x5: {  	_ = 	snop  }
0x6: {  	_ = 	snop  }
0x7: {  	_ = 	snop  }
__scs_overlays_trampoline_lowered:
0x8: {  	[smem:$0x3FAD] =	sst s0  }
0x9: {  	[smem:$0x3FAE] =	sst s1  }
0xa: {  	[smem:$0x3FAF] =	sst s2  }
0xb: {  	[smem:$0x3FB0] =	sst s3  }
0xc: {  	[smem:$0x3FB1] =	sst s4  }
0xd: {  	[smem:$0x3FB2] =	sst s5  }
0xe: {  	[smem:$0x3FB3] =	sst s6  }
0xf: {  	[smem:$0x3FB4] =	sst s7  }
0x10: {  	[smem:$0x3FB5] =	sst s8  }
0x11: {  	[smem:$0x3FB6] =	sst s9;
	s0 =	simm.s32 @!p0 $0x0  }
0x12: {  	s1 =	sld [smem:$0x3F9C];
	s0 =	simm.s32 @p0 $0x1  }
0x13: {  	[smem:$0x3FB7] =	sst s0;
	s0 =	simm.s32 @!p1 $0x0  }
0x14: {  	s2 =	sld [smem:$0x3F9B];
	s0 =	simm.s32 @p1 $0x1  }
0x15: {  	[smem:$0x3FB8] =	sst s0;
	s0 =	simm.s32 @!p2 $0x0  }
0x16: {  	s3 =	sld [smem:$0x3FDB];
	s0 =	simm.s32 @p2 $0x1  }
0x17: {  	s4 =	simm.s32 $0x1BF5;
	[smem:$0x3FBA] =	sst s0  }
0x18: {  	s0 =	sld [smem:$0x3F9D];
	_ =	swait.ge [sflag:s4], $0x0  }
0x19: {  	s7 =	sld [smem:$0x3F9E]  }
0x1a: {  	s8 =	sadd.s32 $0xFFFFE003, lr  }
0x1b: {  	s9 =	sadd.s32 $0xFFFFFEF7, lr;
	s5 =	simm.s32 $0xFFFFFFFF;
	p2 =	slt.u32 s8, $0xFFFFF086  }
0x1c: {  	p1 =	slt.u32 s9, $0xF7A;
	s5 =	simm.s32 @!p2 $0x0  }
0x1d: {  	s5 =	simm.s32 @p1 $0x1;
	p0 =	seq.s32 s7, s2  }
0x1e: {  	s7 =	smul.u32 @!p0 $0xF7A, s2;
	p2 =	seq.s32 @!p0 s5, $0x0  }
0x1f: {  	s9 =	smul.u32 $0xF7A, s1;
	s8 =	simm.s32 @!p0 $0x1BF5;
	p2 =	por !p2, p0  }
0x20: {  	[sflag:s8] =	ssyncset.s32 @!p0 $0xFFFFF086;
	s6 =	sadd.s32 @!p0 s3, s7;
	s7 =	simm.s32 @!p0 $0x108  }
0x21: {  	s3 =	sadd.s32 s3, s9;
	s6 =	sadd.s32 @!p0 $0x88, s6;
	s7 =	simm.s32 @p2 $0x1082  }
0x22: {  	[simem:s7], [sflag:s8] =	dma.local @!p0 [hbm:s6], $0xF7A  }
0x23: {  	s9 =	sor.u32 $0xD0000000, s2;
	s6 =	simm.s32 $0x108;
	_ =	swait.ge @!p0 [sflag:s8], $0x0  }
0x24: {  	s3 =	sadd.s32 $0x88, s3;
	s6 =	simm.s32 @!p1 $0x1082;
	[sflag:s4] =	ssyncset.s32 $0xFFFFF086  }
0x25: {  	[simem:s6], [sflag:s4] =	dma.local [hbm:s3], $0xF7A  }
0x26: {  	[smem:$0x3F9E] =	sst s1;
	(tag) =	ssettag s2;
	_ =	strace s9  }
0x27: {  	s1 =	sld [smem:$0x3FAE]  }
0x28: {  	s2 =	sld [smem:$0x3FAF]  }
0x29: {  	s4 =	sld [smem:$0x3FB1]  }
0x2a: {  	p0 =	seq.s32 s5, $0x0;
	s5 =	sld [smem:$0x3FB2]  }
0x2b: {  	s6 =	sld [smem:$0x3FB3]  }
0x2c: {  	s7 =	sld [smem:$0x3FB4]  }
0x2d: {  	s3 =	simm.s32 $0x108;
	s8 =	sld [smem:$0x3FB5]  }
0x2e: {  	s3 =	simm.s32 @!p0 $0x1082;
	s9 =	sld [smem:$0x3FB6]  }
0x2f: {  	lr =	sadd.s32 s0, s3;
	s0 =	sld [smem:$0x3FAD]  }
0x30: {  	s3 =	sld [smem:$0x3FB0]  }
0x31: {  	[smem:$0x3FB9] =	sst s10  }
0x32: {  	s10 =	sld [smem:$0x3FB7];
	_ =	sdelay $0x3  }
0x33: {  	p0 =	seq.s32 s10, $0x1;
	s10 =	sld [smem:$0x3FB9];
	_ =	sdelay $0x3  }
0x34: {  	[smem:$0x3FB9] =	sst s10  }
0x35: {  	s10 =	sld [smem:$0x3FB8];
	_ =	sdelay $0x3  }
0x36: {  	p1 =	seq.s32 s10, $0x1;
	s10 =	sld [smem:$0x3FB9];
	_ =	sdelay $0x3  }
0x37: {  	[smem:$0x3FB9] =	sst s10  }
0x38: {  	s10 =	sld [smem:$0x3FBA]  }
0x39: {  	_ = 	snop;
	(pc) =	sbr.ind lr, $3  }
0x3a: {  	_ = 	snop  }
0x3b: {  	_ = 	snop  }
0x3c: {  	p2 =	seq.s32 s10, $0x1;
	s10 =	sld [smem:$0x3FB9]  }
0x3d: {  	_ =	shalt  }
0x3e: {  	_ =	shalt  }
0x3f: {  	_ =	shalt  }
0x40: {  	_ =	shalt  }
0x41: {  	_ =	shalt  }
0x42: {  	_ =	shalt  }
0x43: {  	_ =	shalt  }
0x44: {  	_ =	shalt  }
0x45: {  	_ =	shalt  }
0x46: {  	_ =	shalt  }
0x47: {  	_ =	shalt  }
0x48: {  	_ =	shalt  }
0x49: {  	_ =	shalt  }
0x4a: {  	_ =	shalt  }
0x4b: {  	_ =	shalt  }
0x4c: {  	_ =	shalt  }
0x4d: {  	_ =	shalt  }
0x4e: {  	_ =	shalt  }
0x4f: {  	_ =	shalt  }
0x50: {  	_ =	shalt  }
0x51: {  	_ =	shalt  }
0x52: {  	_ =	shalt  }
0x53: {  	_ =	shalt  }
0x54: {  	_ =	shalt  }
0x55: {  	_ =	shalt  }
0x56: {  	_ =	shalt  }
0x57: {  	_ =	shalt  }
0x58: {  	_ =	shalt  }
0x59: {  	_ =	shalt  }
0x5a: {  	_ =	shalt  }
0x5b: {  	_ =	shalt  }
0x5c: {  	_ =	shalt  }
0x5d: {  	_ =	shalt  }
0x5e: {  	_ =	shalt  }
0x5f: {  	_ =	shalt  }
0x60: {  	_ =	shalt  }
0x61: {  	_ =	shalt  }
0x62: {  	_ =	shalt  }
0x63: {  	_ =	shalt  }
0x64: {  	_ =	shalt  }
0x65: {  	_ =	shalt  }
0x66: {  	_ =	shalt  }
0x67: {  	_ =	shalt  }
0x68: {  	_ =	shalt  }
0x69: {  	_ =	shalt  }
0x6a: {  	_ =	shalt  }
0x6b: {  	_ =	shalt  }
0x6c: {  	_ =	shalt  }
0x6d: {  	_ =	shalt  }
0x6e: {  	_ =	shalt  }
0x6f: {  	_ =	shalt  }
0x70: {  	_ =	shalt  }
0x71: {  	_ =	shalt  }
0x72: {  	_ =	shalt  }
0x73: {  	_ =	shalt  }
0x74: {  	_ =	shalt  }
0x75: {  	_ =	shalt  }
0x76: {  	_ =	shalt  }
0x77: {  	_ =	shalt  }
0x78: {  	_ =	shalt  }
0x79: {  	_ =	shalt  }
0x7a: {  	_ =	shalt  }
0x7b: {  	_ =	shalt  }
0x7c: {  	_ =	shalt  }
0x7d: {  	_ =	shalt  }
0x7e: {  	_ =	shalt  }
0x7f: {  	_ =	shalt  }
0x80: {  	_ =	shalt  }
0x81: {  	_ =	shalt  }
0x82: {  	_ =	shalt  }
0x83: {  	_ =	shalt  }
0x84: {  	_ =	shalt  }
0x85: {  	_ =	shalt  }
0x86: {  	_ =	shalt  }
0x87: {  	_ =	shalt  }
.Lfunc_end0:
.L_simem_size_0:
called_computation_lowered:
.L_overlay_start_0:
0x88: {  	s2 =	sld [smem:$0x3FD9]  }
0x89: {  	s3 =	sld [smem:$0x3FFE];
	_ =	sdelay $0x1  }
0x8a: {  	s1 =	srdreg.scid  }
0x8b: {  	s0 =	sand.u32 $0x1, s1  }
0x8c: {  	s17 =	sshll.u32 s0, $0xA;
	s2 =	sadd.s32 s3, s2  }
0x8d: {  	s2 =	sadd.s32 s2, s17  }
0x8e: {  	[smem:$0x3FC5] =	sst s2  }
0x8f: {  	_ = 	snop  }
0x90: {  	s2 =	sld [smem:$0x3FC9]  }
0x91: {  	s18 =	sld [smem:$0x3FC8]  }
0x92: {  	s4 =	sld [smem:$0x3FC7];
	(tm) =	ssettm $0x1  }
0x93: {  	s5 =	sld [smem:$0x3FFB];
	_ =	sdelay $0x3  }
0x94: {  	_ =	strace s5  }
0x95: {  	s5 =	sld [smem:$0x3FFC];
	_ =	sdelay $0x3  }
0x96: {  	_ =	strace s5  }
0x97: {  	s5 =	sld [smem:$0x3FFD];
	_ =	sdelay $0x3  }
0x98: {  	_ =	strace s5  }
0x99: {  	_ =	strace $0x8FFFFFFF  }
0x9a: {  	s19 =	sld [smem:$0x3FDB];
	_ =	sdelay $0x1  }
0x9b: {  	s6 =	simm.s32 $_scs_section_size  }
0x9c: {  	s7 =	simm.s32 $_size__tile_overlayer_lowered;
	s8 =	simm.s32 $_tile_overlayer_lowered  }
0x9d: {  	s22 =	simm.s32 $0x1BFF;
	s21 =	sshll.u32 s8, $0x1;
	s5 =	sadd.s32 s6, s19  }
0x9e: {  	s9 =	simm.s32 $0x0;
	s20 =	sshll.u32 s7, $0x1;
	s7 =	sadd.s32 s21, s5  }
0x9f: {  	[timem:s9], [sflag:s22] =	dma.local [hbm:s7], s20  }
0xa0: {  	_ =	swait.ge [sflag:s22], s20  }
0xa1: {  	s6 =	ssub.s32 $0x0, s20;
	[sflag:s22] =	ssyncset.done $0x0  }
0xa2: {  	[sflag:s22] =	ssyncadd.s32 s6;
	_ =	sdelay $0x1  }
0xa3: {  	s23 =	simm.s32 $0x1B8B  }
0xa4: {  	_ =	swait.ge [sflag:s23], $0x1  }
0xa5: {  	[sflag:s23] =	ssyncset.done $0x0  }
0xa6: {  	s25 =	simm.s32 $0x1B8E;
	s24 =	sld [smem:$0x3FFE];
	[sflag:s23] =	ssyncadd.s32 $0xFFFFFFFF  }
0xa7: {  	s26 =	simm.s32 $execute0_lowered;
	[smem:$0x3FD2] =	sst s25  }
0xa8: {  	s7 =	sshll.u32 s26, $0x1;
	_ =	strace $0x80000046;
	[dreg:$0x1] =	wrdreg $0xFFFFFFFF  }
0xa9: {  	s28 =	simm.s32 $_size_execute0_lowered;
	s5 =	sadd.s32 s5, s7;
	[dreg:$0x0] =	wrdreg $0x0  }
0xaa: {  	s7 =	sshll.u32 s28, $0x1;
	[dreg:$0x2] =	wrdreg s5  }
0xab: {  	[dreg:$0x3] =	wrdreg s7  }
0xac: {  	[dreg:$0x4] =	wrdreg $0xC0  }
0xad: {  	_ =	task [dreg:s9], $0x5FFFF  }
0xae: {  	[dreg:$0x1] =	wrdreg $0xFFFFFFFF  }
0xaf: {  	[dreg:$0x0] =	wrdreg $0x60  }
0xb0: {  	[dreg:$0x2] =	wrdreg s2  }
0xb1: {  	[dreg:$0x3] =	wrdreg s18  }
0xb2: {  	[dreg:$0x4] =	wrdreg s4  }
0xb3: {  	[dreg:$0x5] =	wrdreg s24  }
0xb4: {  	[dreg:$0x6] =	wrdreg $0x9  }
0xb5: {  	_ =	task.clear_ibuf [dreg:s9], $0x7FFFF;
	_ =	strace $0x90000046  }
0xb6: {  	s29 =	simm.s32 $0x9;
	_ =	strace $0x80000048  }
0xb7: {  	_ =	swait.ge [sflag:s29], $0x1  }
0xb8: {  	[sflag:s29] =	ssyncadd.s32 $0xFFFFFFFF  }
0xb9: {  	_ =	strace $0x90000048  }
0xba: {  	_ =	sfence  }
0xbb: {  	s30 =	sld [smem:$0x0];
	_ =	sdelay $0x2  }
0xbc: {  	s31 =	sshll.u32 s1, $0xD;
	s1 =	sshrl.u32 s1, $0x2  }
0xbd: {  	s3 =	sand.u32 $0x4000, s31;
	s1 =	sadd.s32 s1, s30  }
0xbe: {  	s0 =	sor.u32 s3, s0;
	s1 =	sshll.u32 s1, $0x11  }
0xbf: {  	s0 =	sor.u32 s1, s0  }
0xc0: {  	s0 =	sadd.s32 $0x8F2B, s0  }
0xc1: {  	[sflag:s0] =	ssyncadd.remote.s32 $0x1  }
0xc2: {  	_ =	sfence.sel $0xFFFF  }
0xc3: {  	[dreg:$0x0] =	wrdreg $0xFFFFFFFF;
	(pc) =	sbr.abs _section_cstart, $3  }
0xc4: {  	[dreg:$0x1] =	wrdreg $0xFFFFFFFF  }
0xc5: {  	_ =	task.clear_ibuf [dreg:s9], $0x2FFFF;
	_ =	strace $0x9FFFFFFF  }
0xc6: {  	(tm) =	ssettm $0x7FFFFFFF  }
0xc7: {  	_ =	shalt  }
tec
execute0_lowered:
.L_overlay_start_1:
0x0: {  	(tag) =	ssettag $0x1  }
0x1: {  	v0 =	vimm.s32 $0x3F80;
	vm0 =	vcmask $0x300  }
0x2: {  	vm14 =	vcmask $0x704;
	v0 =	vsel vm0, $0x0, v0  }
0x3: {  	vm15 =	vcmask $0xB08;
	v0 =	vsel vm14, $0x480, v0  }
0x4: {  	vm4 =	vcmask $0xF0C;
	v0 =	vsel vm15, $0x900, v0  }
0x5: {  	s0 =	rddreg [dreg:$0x0];
	vm5 =	vcmask $0x1310;
	v0 =	vsel vm4, $0xD80, v0  }
0x6: {  	s5 =	rddreg [dreg:$0x1];
	vm6 =	vcmask $0x1714;
	v0 =	vsel vm5, $0x1200, v0  }
0x7: {  	s6 =	rddreg [dreg:$0x2];
	vm7 =	vcmask $0x1B18;
	v0 =	vsel vm6, $0x1680, v0  }
0x8: {  	s7 =	rddreg [dreg:$0x3];
	s3 =	srdreg.scid;
	vm8 =	vcmask $0x1F1C;
	v0 =	vsel vm7, $0x1B00, v0  }
0x9: {  	s1 =	rddreg [dreg:$0x4];
	s2 =	stileid.u32;
	vm9 =	vcmask $0x2320;
	s11 =	simm.s32 $0x1;
	v0 =	vsel vm8, $0x1F80, v0  }
0xa: {  	vm10 =	vcmask $0x2724;
	s12 =	simm.s32 $0x80;
	s13 =	simm.s32 $0x4100;
	s14 =	simm.s32 $0x0;
	v0 =	vsel vm9, $0x2000, v0  }
0xb: {  	vm11 =	vcmask $0x2B28;
	s8 =	sand.u32 $0x1, s3;
	s3 =	simm.s32 $0x0;
	s4 =	sshll.u32 s2, $0x5;
	v0 =	vsel vm10, $0x2480, v0  }
0xc: {  	vm12 =	vcmask $0x2F2C;
	s9 =	sshll.u32 s8, $0x4;
	[smem:$0x7FF] =	sst s3;
	s8 =	ssub.s32 $0x2, s8;
	v0 =	vsel vm11, $0x2900, v0  }
0xd: {  	vm13 =	vcmask $0x3330;
	s4 =	sor.u32 s9, s4;
	_ =	strace $0x80000047;
	s10 =	sshrl.u32 s8, $0x1;
	v0 =	vsel vm12, $0x2D80, v0  }
0xe: {  	vm14 =	vcmask $0x3734;
	s9 =	sshrl.u32 s4, $0x3;
	s8 =	ssub.s32 s8, s10;
	s10 =	simm.s32 $0x4080;
	v0 =	vsel vm13, $0x3200, v0  }
0xf: {  	vm15 =	vcmask $0x3B38;
	s7 =	sadd.s32 s9, s7;
	s5 =	sadd.s32 s5, s9;
	s6 =	sadd.s32 s6, s9;
	v1 =	vsel vm14, $0x3680, v0  }
0x10: {  	s8 =	smax.u32 s8, $0x1;
	s9 =	simm.s32 $0x2;
	s7 =	sadd.s32 $0x600, s7;
	v0 =	vlaneseq.u32;
	v1 =	vsel vm15, $0x3B00, v1  }
.LBB2_1:
0x11: {  	[tilespmem:s3], [sflag:$0x2] =	stream.linear.gather [hbm4b:s5+s3], $0x10, $0x38;
	[tilespmem:$0x4180] =	vst v63  }
0x12: {  	_ =	swait.ge [sflag:s9], $0x10  }
0x13: {  	[sflag:s9] =	ssyncset.done $0x0  }
0x14: {  	[sflag:s9] =	ssyncadd.s32 $0xFFFFFFF0  }
0x15: {  	[tilespmem:s10], [sflag:$0x2] =	stream.linear.gather [hbm4b:s6+s3], $0x10, $0x38;
	[tilespmem:$0x4180] =	vst v63  }
0x16: {  	_ =	swait.ge [sflag:s9], $0x10  }
0x17: {  	[sflag:s9] =	ssyncset.done $0x0  }
0x18: {  	[sflag:s9] =	ssyncadd.s32 $0xFFFFFFF0  }
0x19: {  	v2 =	vld [tilespmem:$0x0];
	_ =	sdelay $0x3  }
0x1a: {  	v3 =	vmov s3  }
0x1b: {  	vm0 =	veq.s32 v3, v0;
	v2 =	vand.u32 $0xFFFFFF80, v2  }
0x1c: {  	v3 =	vnsel vm0, $0x0, v2  }
0x1d: {  	s15 =	simm.s32 $0x1;
	(xrf0) =	vadd.scan.msk.s32 $0xffff, v3  }
0x1e: {  	v3 =	vmov s15  }
0x1f: {  	vm12 =	veq.s32 v3, v0  }
0x20: {  	v3 =	vnsel vm12, $0x0, v2  }
0x21: {  	(xrf0) =	vadd.scan.msk.s32 $0xffff, v3;
	_ =	sdelay $0x1  }
0x22: {  	v4, _, _ =	vpop (xrf0)  }
0x23: {  	(v2sf) =	vpush v4, $0xF;
	_ =	sdelay $0x2  }
0x24: {  	v3, _, _ =	vpop (xrf0)  }
0x25: {  	(v2sf) =	vpush v3, $0xF  }
0x26: {  	s18 =	simm.s32 $0x2  }
0x27: {  	v3 =	vmov s18  }
0x28: {  	vm13 =	veq.s32 v3, v0  }
0x29: {  	s15 =	simm.s32 $0x3;
	v4 =	vnsel vm13, $0x0, v2  }
0x2a: {  	v3 =	vmov s15;
	(xrf0) =	vadd.scan.msk.s32 $0xffff, v4  }
0x2b: {  	vm14 =	veq.s32 v3, v0  }
0x2c: {  	v3 =	vnsel vm14, $0x0, v2  }
0x2d: {  	(xrf0) =	vadd.scan.msk.s32 $0xffff, v3;
	_ =	sdelay $0x1  }
0x2e: {  	s16 =	sadd.s32 $0x0, s4  }
0x2f: {  	s16 =	sshrl.u32 s16, $0x3;
	v4, _, _ =	vpop (xrf0);
	s17 =	spop (v2sf)  }
0x30: {  	s16 =	smul.u32 $0xC3800, s16;
	(v2sf) =	vpush v4, $0xF;
	s17 =	sshll.u32 s17, $0x3  }
0x31: {  	s17 =	sand.u32 $0x7FFFFC00, s17  }
0x32: {  	v4, _, _ =	vpop (xrf0);
	s16 =	sadd.s32 s16, s17;
	s17 =	simm.s32 $0x4  }
0x33: {  	s31 =	spop (v2sf);
	(v2sf) =	vpush v4, $0xF;
	v3 =	vmov s17  }
0x34: {  	vm15 =	veq.s32 v3, v0  }
0x35: {  	s19 =	sadd.s32 $0x1, s4;
	v3 =	vnsel vm15, $0x0, v2  }
0x36: {  	s30 =	sshrl.u32 s19, $0x3;
	s16 =	sshrl.u32 s16, $0x3;
	(xrf0) =	vadd.scan.msk.s32 $0xffff, v3  }
0x37: {  	s21 =	smul.u32 $0xC3800, s30;
	s19 =	sshll.u32 s31, $0x3;
	s16 =	sadd.s32 s0, s16  }
0x38: {  	[tilespmem:s12], [sflag:$0x1] =	stream.linear.gather [hbm4b:s16+s3], $0x400, $0x38;
	[tilespmem:$0x4180] =	vst v63  }
0x39: {  	s19 =	sand.u32 $0x7FFFFC00, s19;
	s16 =	simm.s32 $0x5  }
0x3a: {  	s20 =	simm.s32 $0x6;
	s21 =	sadd.s32 s21, s19;
	s19 =	simm.s32 $0x80;
	v3 =	vmov s16  }
.LBB2_2:
0x3b: {  	p0 =	sne.s32 s20, $0xF;
	vm0 =	veq.s32 v3, v0;
	s21 =	sshrl.u32 s21, $0x3  }
0x3c: {  	s18 =	sadd.s32 s18, s4;
	s19 =	sadd.s32 $0x400, s19;
	v3 =	vnsel vm0, $0x0, v2;
	v4, _, _ =	vpop (xrf0);
	s21 =	sadd.s32 s0, s21  }
0x3d: {  	[tilespmem:s19], [sflag:$0x1] =	stream.linear.gather [hbm4b:s21+s3], $0x400, $0x38;
	[tilespmem:$0x4180] =	vst v63  }
.Ltmp0:
0x3e: {  	(xrf0) =	vadd.scan.msk.s32 $0xffff, v3;
	(v2sf) =	vpush v4, $0xF;
	(pc) =	sbr.rel @p0 .LBB2_2-.Ltmp0, $4  }
0x3f: {  	s21 =	sshrl.u32 s18, $0x3;
	s18 =	smov.u32 s15;
	s22 =	spop (v2sf)  }
0x40: {  	s15 =	smov.u32 s17;
	s21 =	smul.u32 $0xC3800, s21;
	s22 =	sshll.u32 s22, $0x3  }
0x41: {  	s17 =	smov.u32 s16;
	s16 =	smov.u32 s20;
	s22 =	sand.u32 $0x7FFFFC00, s22  }
0x42: {  	s20 =	sadd.s32 $0x1, s20;
	v3 =	vmov s16;
	s21 =	sadd.s32 s21, s22  }
0x43: {  	vm0 =	veq.s32 v3, v0  }
0x44: {  	s20 =	sshrl.u32 s21, $0x3;
	s18 =	sadd.s32 s18, s4;
	s19 =	sadd.s32 $0x400, s19;
	v2 =	vnsel vm0, $0x0, v2;
	v3, _, _ =	vpop (xrf0)  }
0x45: {  	s22 =	spop (v2sf);
	s20 =	sadd.s32 s0, s20;
	s18 =	sshrl.u32 s18, $0x3;
	(xrf0) =	vadd.scan.msk.s32 $0xffff, v2;
	(v2sf) =	vpush v3, $0xF  }
0x46: {  	[tilespmem:s19], [sflag:$0x1] =	stream.linear.gather [hbm4b:s20+s3], $0x400, $0x38;
	[tilespmem:$0x4180] =	vst v63  }
0x47: {  	s18 =	smul.u32 $0xC3800, s18;
	s20 =	sshll.u32 s22, $0x3  }
0x48: {  	s20 =	sand.u32 $0x7FFFFC00, s20  }
0x49: {  	s18 =	sadd.s32 s18, s20  }
0x4a: {  	s18 =	sshrl.u32 s18, $0x3  }
0x4b: {  	s15 =	sadd.s32 s15, s4;
	s19 =	sadd.s32 $0x400, s19;
	s18 =	sadd.s32 s0, s18;
	v2, _, _ =	vpop (xrf0)  }
0x4c: {  	[tilespmem:s19], [sflag:$0x1] =	stream.linear.gather [hbm4b:s18+s3], $0x400, $0x38;
	(v2sf) =	vpush v2, $0xF;
	[tilespmem:$0x4180] =	vst v63  }
0x4d: {  	s15 =	sshrl.u32 s15, $0x3;
	s23 =	spop (v2sf)  }
0x4e: {  	s15 =	smul.u32 $0xC3800, s15;
	s18 =	sshll.u32 s23, $0x3  }
0x4f: {  	s18 =	sand.u32 $0x7FFFFC00, s18  }
0x50: {  	s15 =	sadd.s32 s15, s18  }
0x51: {  	s15 =	sshrl.u32 s15, $0x3  }
0x52: {  	s17 =	sadd.s32 s17, s4;
	s24 =	sadd.s32 $0x400, s19;
	s15 =	sadd.s32 s0, s15  }
0x53: {  	[tilespmem:s24], [sflag:$0x1] =	stream.linear.gather [hbm4b:s15+s3], $0x400, $0x38;
	[tilespmem:$0x4180] =	vst v63  }
0x54: {  	s25 =	sshrl.u32 s17, $0x3;
	s26 =	spop (v2sf)  }
0x55: {  	s15 =	smul.u32 $0xC3800, s25;
	s17 =	sshll.u32 s26, $0x3  }
0x56: {  	s17 =	sand.u32 $0x7FFFFC00, s17  }
0x57: {  	s15 =	sadd.s32 s15, s17  }
0x58: {  	s15 =	sshrl.u32 s15, $0x3  }
0x59: {  	s16 =	sadd.s32 s16, s4;
	s28 =	sadd.s32 $0x400, s24;
	s15 =	sadd.s32 s0, s15  }
0x5a: {  	[tilespmem:s28], [sflag:$0x1] =	stream.linear.gather [hbm4b:s15+s3], $0x400, $0x38;
	[tilespmem:$0x4180] =	vst v63  }
0x5b: {  	s29 =	sshrl.u32 s16, $0x3;
	s30 =	spop (v2sf)  }
0x5c: {  	s15 =	smul.u32 $0xC3800, s29;
	s16 =	sshll.u32 s30, $0x3  }
0x5d: {  	s16 =	sand.u32 $0x7FFFFC00, s16  }
0x5e: {  	s15 =	sadd.s32 s15, s16  }
0x5f: {  	s15 =	sshrl.u32 s15, $0x3  }
0x60: {  	s31 =	sadd.s32 $0x400, s28;
	s15 =	sadd.s32 s0, s15  }
0x61: {  	[tilespmem:s31], [sflag:$0x1] =	stream.linear.gather [hbm4b:s15+s3], $0x400, $0x38;
	[tilespmem:$0x4180] =	vst v63  }
0x62: {  	_ =	swait.ge [sflag:s11], $0x400  }
0x63: {  	[sflag:s11] =	ssyncset.done $0x0  }
0x64: {  	[sflag:s11] =	ssyncadd.s32 $0xFFFFFC00  }
0x65: {  	_ =	swait.ge [sflag:s11], $0x400  }
0x66: {  	[sflag:s11] =	ssyncset.done $0x0  }
0x67: {  	[sflag:s11] =	ssyncadd.s32 $0xFFFFFC00  }
0x68: {  	_ =	swait.ge [sflag:s11], $0x400  }
0x69: {  	[sflag:s11] =	ssyncset.done $0x0  }
0x6a: {  	[sflag:s11] =	ssyncadd.s32 $0xFFFFFC00  }
0x6b: {  	_ =	swait.ge [sflag:s11], $0x400  }
0x6c: {  	[sflag:s11] =	ssyncset.done $0x0  }
0x6d: {  	[sflag:s11] =	ssyncadd.s32 $0xFFFFFC00  }
0x6e: {  	_ =	swait.ge [sflag:s11], $0x400  }
0x6f: {  	[sflag:s11] =	ssyncset.done $0x0  }
0x70: {  	[sflag:s11] =	ssyncadd.s32 $0xFFFFFC00  }
0x71: {  	_ =	swait.ge [sflag:s11], $0x400  }
0x72: {  	[sflag:s11] =	ssyncset.done $0x0  }
0x73: {  	[sflag:s11] =	ssyncadd.s32 $0xFFFFFC00  }
0x74: {  	_ =	swait.ge [sflag:s11], $0x400  }
0x75: {  	[sflag:s11] =	ssyncset.done $0x0  }
0x76: {  	[sflag:s11] =	ssyncadd.s32 $0xFFFFFC00  }
0x77: {  	_ =	swait.ge [sflag:s11], $0x400  }
0x78: {  	[sflag:s11] =	ssyncset.done $0x0  }
0x79: {  	[sflag:s11] =	ssyncadd.s32 $0xFFFFFC00  }
0x7a: {  	_ =	swait.ge [sflag:s11], $0x400  }
0x7b: {  	[sflag:s11] =	ssyncset.done $0x0  }
0x7c: {  	[sflag:s11] =	ssyncadd.s32 $0xFFFFFC00  }
0x7d: {  	_ =	swait.ge [sflag:s11], $0x400  }
0x7e: {  	[sflag:s11] =	ssyncset.done $0x0  }
0x7f: {  	[sflag:s11] =	ssyncadd.s32 $0xFFFFFC00  }
0x80: {  	_ =	swait.ge [sflag:s11], $0x400  }
0x81: {  	[sflag:s11] =	ssyncset.done $0x0  }
0x82: {  	[sflag:s11] =	ssyncadd.s32 $0xFFFFFC00  }
0x83: {  	_ =	swait.ge [sflag:s11], $0x400  }
0x84: {  	[sflag:s11] =	ssyncset.done $0x0  }
0x85: {  	[sflag:s11] =	ssyncadd.s32 $0xFFFFFC00  }
0x86: {  	_ =	swait.ge [sflag:s11], $0x400  }
0x87: {  	[sflag:s11] =	ssyncset.done $0x0  }
0x88: {  	[sflag:s11] =	ssyncadd.s32 $0xFFFFFC00  }
0x89: {  	_ =	swait.ge [sflag:s11], $0x400  }
0x8a: {  	[sflag:s11] =	ssyncset.done $0x0  }
0x8b: {  	[sflag:s11] =	ssyncadd.s32 $0xFFFFFC00  }
0x8c: {  	_ =	swait.ge [sflag:s11], $0x400  }
0x8d: {  	[sflag:s11] =	ssyncset.done $0x0  }
0x8e: {  	[sflag:s11] =	ssyncadd.s32 $0xFFFFFC00  }
0x8f: {  	_ =	swait.ge [sflag:s11], $0x400  }
0x90: {  	[sflag:s11] =	ssyncset.done $0x0  }
0x91: {  	[sflag:s11] =	ssyncadd.s32 $0xFFFFFC00  }
0x92: {  	v2 =	vld [tilespmem:$0x0];
	_ =	sdelay $0x4  }
0x93: {  	v2 =	vand.u32 $0x7F, v2  }
0x94: {  	v2 =	vor.u32 v1, v2;
	_ =	sdelay $0x3  }
0x95: {  	v3 =	vld [tilespmem:$0x4080]  }
0x96: {  	v2 =	vld.idx.msk [tilespmem:v2+s12+$0x0], $0xffff;
	_ =	sdelay $0x4  }
0x97: {  	s14 =	sadd.s32 $0x1, s14;
	v2 =	vmul.f32 v3, v2  }
0x98: {  	p0 =	sne.s32 s14, s8  }
.Ltmp1:
0x99: {  	[tilespmem:$0x4100] =	vst v2;
	(pc) =	sbr.rel @p0 .LBB2_1-.Ltmp1, $4  }
0x9a: {  	[hbm4b:s7+s3] =	stream.linear.scatter [tilespmem:s13], [sflag:$0x2], $0x10, $0x38;
	[tilespmem:$0x4180] =	vst v63  }
0x9b: {  	_ =	swait.ge [sflag:s9], $0x10  }
0x9c: {  	[sflag:s9] =	ssyncset.done $0x0  }
0x9d: {  	[sflag:s9] =	ssyncadd.s32 $0xFFFFFFF0  }
0x9e: {  	_ =	sfence.sel $0x180000  }
0x9f: {  	[bflag:$0x0] =	sbarrier.arrive $0xFFFF  }
0xa0: {  	p0 =	sne.s32 s2, $0x0;
	_ =	strace $0x90000047  }
0xa1: {  	s0 =	sadd.s32 @!p0 $0x100000, s1;
	[bflag:$0x2] =	sbarrier.arrive $0xFFFF  }
0xa2: {  	[sflag:s0] =	ssyncadd.tile.s32 @!p0 $0x1;
	_ =	shalt  }
.Lfunc_end2:
_tile_overlayer_lowered:
.L_overlay_start_2:
0xa3: {  	(tag) =	ssettag $0x2  }
0xa4: {  	s0 =	rddreg [dreg:$0x0];
	s2 =	stileid.u32  }
0xa5: {  	s1 =	rddreg [dreg:$0x1];
	p0 =	sne.s32 s2, $0x0  }
0xa6: {  	s3 =	rddreg [dreg:$0x2];
	[bflag:$0x3] =	sbarrier.arrive $0xFFFF;
	s2 =	simm.s32 @!p0 $0x1C02  }
0xa7: {  	[timem:s3], [sflag:s2] =	dma.local @!p0 [hbm:s0], s1  }
0xa8: {  	s0 =	simm.s32 @!p0 $0x2  }
0xa9: {  	_ =	swait.ge @!p0 [sflag:s0], s1  }
0xaa: {  	s1 =	ssub.s32 @!p0 $0x0, s1;
	[sflag:s0] =	ssyncset.done @!p0 $0x0  }
0xab: {  	[sflag:s0] =	ssyncadd.s32 @!p0 s1  }
0xac: {  	[bflag:$0x3] =	sbarrier.arrive $0xFFFF  }
0xad: {  	_ =	shalt  }

</sc_bundles>
